<compile_context>
chip_gen: v7x
topology: tpu7x:2x2x1
jax: 0.10.2.dev20260603
libtpu: 0.0.44.dev20260713+nightly
codegen_flags: <defaults>
</compile_context>

<pallas_src>
import functools

import jax
import jax.numpy as jnp
from jax import lax
from jax.experimental import pallas as pl
from jax.experimental.pallas import tpu as pltpu
from jax.experimental.pallas import tpu_sc as plsc

N = 10000
E = 160000
L = 4
H = 8
C = 16
D = 128
OUT_DIM = 1000

NPAD = 10240
EF = E + N
EPAD = 172032
BPAD = 12288
CH = 128
NWORK = 32
BM = 1024
CB = 1024
PW = 256

_f32 = jnp.float32
_SDS = jax.ShapeDtypeStruct


def _elu(v):
    return jnp.where(v > 0, v, jnp.exp(jnp.minimum(v, 0.0)) - 1.0)


def _mm_act(x, w, b, act):
    M, K = x.shape
    Nn = w.shape[1]

    def body(x_ref, w_ref, b_ref, o_ref):
        acc = jnp.dot(x_ref[...], w_ref[...], preferred_element_type=_f32)
        acc = acc + b_ref[...]
        o_ref[...] = _elu(acc) if act else acc

    return pl.pallas_call(
        body,
        grid=(M // BM,),
        in_specs=[
            pl.BlockSpec((BM, K), lambda i: (i, 0)),
            pl.BlockSpec((K, Nn), lambda i: (0, 0)),
            pl.BlockSpec((1, Nn), lambda i: (0, 0)),
        ],
        out_specs=pl.BlockSpec((BM, Nn), lambda i: (i, 0)),
        out_shape=_SDS((M, Nn), _f32),
    )(x, w, b.reshape(1, Nn))


def _pass_a(rows_l, rows_r, ee, att_flat, eot):

    def body(l_ref, r_ref, e_ref, att_ref, eot_ref, a_ref, m_ref):
        i = pl.program_id(0)
        m = l_ref[...] + r_ref[...] + e_ref[...]
        m = jnp.where(m > 0, m, 0.2 * m) * att_ref[...]
        a8 = jnp.dot(m, eot_ref[...], preferred_element_type=_f32)
        a_ref[...] = a8
        bmax = jnp.broadcast_to(jnp.max(a8, axis=0, keepdims=True), (8, 8))

        @pl.when(i == 0)
        def _():
            m_ref[...] = bmax

        @pl.when(i > 0)
        def _():
            m_ref[...] = jnp.maximum(m_ref[...], bmax)

    return pl.pallas_call(
        body,
        grid=(EPAD // BM,),
        in_specs=[
            pl.BlockSpec((BM, D), lambda i: (i, 0)),
            pl.BlockSpec((BM, D), lambda i: (i, 0)),
            pl.BlockSpec((BM, D), lambda i: (i, 0)),
            pl.BlockSpec((1, D), lambda i: (0, 0)),
            pl.BlockSpec((D, 8), lambda i: (0, 0)),
        ],
        out_specs=[
            pl.BlockSpec((BM, 8), lambda i: (i, 0)),
            pl.BlockSpec((8, 8), lambda i: (0, 0)),
        ],
        out_shape=[_SDS((EPAD, 8), _f32), _SDS((8, 8), _f32)],
    )(rows_l, rows_r, ee, att_flat, eot)


def _cumsum_layer(a8, m8, rows_l, eo, eo2, tri):
    def body(a_ref, m_ref, l_ref, eo_ref, eo2_ref, t_ref, o_ref, carry):
        i = pl.program_id(0)

        @pl.when(i == 0)
        def _():
            o_ref[...] = jnp.zeros((CB, PW), _f32)
            carry[...] = jnp.zeros((8, PW), _f32)

        @pl.when(i > 0)
        def _():
            p8 = jnp.exp(a_ref[...] - m_ref[0:1, :])
            v = jnp.dot(p8, eo_ref[...], preferred_element_type=_f32) * l_ref[...]
            pp = jnp.dot(p8, eo2_ref[...], preferred_element_type=_f32)
            blk = jnp.concatenate([v, pp], axis=1)
            cum = jnp.dot(t_ref[...], blk, preferred_element_type=_f32)
            cum = cum + carry[0:1, :]
            o_ref[...] = cum
            carry[...] = jnp.broadcast_to(cum[CB - 1:CB, :], (8, PW))

    prev = lambda i: (jnp.maximum(i - 1, 0), 0)
    return pl.pallas_call(
        body,
        grid=(EPAD // CB + 1,),
        in_specs=[
            pl.BlockSpec((CB, 8), prev),
            pl.BlockSpec((8, 8), lambda i: (0, 0)),
            pl.BlockSpec((CB, D), prev),
            pl.BlockSpec((8, D), lambda i: (0, 0)),
            pl.BlockSpec((8, 128), lambda i: (0, 0)),
            pl.BlockSpec((CB, CB), lambda i: (0, 0)),
        ],
        out_specs=pl.BlockSpec((CB, PW), lambda i: (i, 0)),
        out_shape=_SDS((EPAD + CB, PW), _f32),
        scratch_shapes=[pltpu.VMEM((8, PW), _f32)],
    )(a8, m8, rows_l, eo, eo2, tri)


def _cumsum_pre(ea_s, mask16, tri):
    def body(v_ref, k_ref, t_ref, o_ref, carry):
        i = pl.program_id(0)

        @pl.when(i == 0)
        def _():
            o_ref[...] = jnp.zeros((CB, PW), _f32)
            carry[...] = jnp.zeros((8, PW), _f32)

        @pl.when(i > 0)
        def _():
            blk = jnp.concatenate([v_ref[...], k_ref[...]], axis=1)
            cum = jnp.dot(t_ref[...], blk, preferred_element_type=_f32)
            cum = cum + carry[0:1, :]
            o_ref[...] = cum
            carry[...] = jnp.broadcast_to(cum[CB - 1:CB, :], (8, PW))

    prev = lambda i: (jnp.maximum(i - 1, 0), 0)
    return pl.pallas_call(
        body,
        grid=(EPAD // CB + 1,),
        in_specs=[
            pl.BlockSpec((CB, D), prev),
            pl.BlockSpec((CB, 128), prev),
            pl.BlockSpec((CB, CB), lambda i: (0, 0)),
        ],
        out_specs=pl.BlockSpec((CB, PW), lambda i: (i, 0)),
        out_shape=_SDS((EPAD + CB, PW), _f32),
        scratch_shapes=[pltpu.VMEM((8, PW), _f32)],
    )(ea_s, mask16, tri)


def _combine_layer(hi, lo, hres, gb, eo16):
    def body(hi_ref, lo_ref, hr_ref, gb_ref, eo_ref, out_ref):
        diff = hi_ref[...] - lo_ref[...]
        num = diff[:, :D]
        den = jnp.dot(diff[:, D:PW], eo_ref[...], preferred_element_type=_f32)
        val = jnp.where(den > 0, num / den, 0.0) + gb_ref[...] + hr_ref[...]
        out_ref[...] = _elu(val)

    return pl.pallas_call(
        body,
        grid=(NPAD // BM,),
        in_specs=[
            pl.BlockSpec((BM, PW), lambda i: (i, 0)),
            pl.BlockSpec((BM, PW), lambda i: (i, 0)),
            pl.BlockSpec((BM, D), lambda i: (i, 0)),
            pl.BlockSpec((1, D), lambda i: (0, 0)),
            pl.BlockSpec((128, D), lambda i: (0, 0)),
        ],
        out_specs=pl.BlockSpec((BM, D), lambda i: (i, 0)),
        out_shape=_SDS((NPAD, D), _f32),
    )(hi, lo, hres, gb, eo16)


def _combine_pre(hi, lo):
    def body(hi_ref, lo_ref, out_ref):
        diff = hi_ref[...] - lo_ref[...]
        cnt = jnp.maximum(diff[:, D:D + 1], 1.0)
        out_ref[...] = diff[:, :D] / cnt

    return pl.pallas_call(
        body,
        grid=(NPAD // BM,),
        in_specs=[
            pl.BlockSpec((BM, PW), lambda i: (i, 0)),
            pl.BlockSpec((BM, PW), lambda i: (i, 0)),
        ],
        out_specs=pl.BlockSpec((BM, D), lambda i: (i, 0)),
        out_shape=_SDS((NPAD, D), _f32),
    )(hi, lo)


def _pool(h):
    def body(h_ref, acc_ref):
        i = pl.program_id(0)
        rowid = lax.broadcasted_iota(jnp.int32, (BM, D), 0) + i * BM
        part = jnp.sum(jnp.where(rowid < N, h_ref[...], 0.0), axis=0,
                       keepdims=True)
        part = jnp.broadcast_to(part, (8, D))

        @pl.when(i == 0)
        def _():
            acc_ref[...] = part

        @pl.when(i > 0)
        def _():
            acc_ref[...] = acc_ref[...] + part

    return pl.pallas_call(
        body,
        grid=(NPAD // BM,),
        in_specs=[pl.BlockSpec((BM, D), lambda i: (i, 0))],
        out_specs=pl.BlockSpec((8, D), lambda i: (0, 0)),
        out_shape=_SDS((8, D), _f32),
    )(h)


def _mlp(gacc, w1, b1, w2, b2, w3p, b3p):
    def body(g_ref, w1_ref, b1_ref, w2_ref, b2_ref, w3_ref, b3_ref, out_ref):
        g = g_ref[...] * (1.0 / N)
        z = _elu(jnp.dot(g, w1_ref[...], preferred_element_type=_f32)
                 + b1_ref[...])
        z = _elu(jnp.dot(z, w2_ref[...], preferred_element_type=_f32)
                 + b2_ref[...])
        z = jnp.dot(z, w3_ref[...], preferred_element_type=_f32) + b3_ref[...]
        lane = lax.broadcasted_iota(jnp.int32, (8, 1024), 1)
        msk = lane < OUT_DIM
        mx = jnp.max(jnp.where(msk, z, -jnp.inf), axis=-1, keepdims=True)
        ez = jnp.where(msk, jnp.exp(z - mx), 0.0)
        out_ref[...] = ez / jnp.sum(ez, axis=-1, keepdims=True)

    return pl.pallas_call(
        body,
        grid=(1,),
        in_specs=[
            pl.BlockSpec((8, D), lambda i: (0, 0)),
            pl.BlockSpec((D, 2 * D), lambda i: (0, 0)),
            pl.BlockSpec((1, 2 * D), lambda i: (0, 0)),
            pl.BlockSpec((2 * D, D), lambda i: (0, 0)),
            pl.BlockSpec((1, D), lambda i: (0, 0)),
            pl.BlockSpec((D, 1024), lambda i: (0, 0)),
            pl.BlockSpec((1, 1024), lambda i: (0, 0)),
        ],
        out_specs=pl.BlockSpec((8, 1024), lambda i: (0, 0)),
        out_shape=_SDS((8, 1024), _f32),
    )(gacc, w1, b1, w2, b2, w3p, b3p)


def _mesh():
    return plsc.VectorSubcoreMesh(core_axis_name="c", subcore_axis_name="s")


@functools.partial(jax.jit, static_argnames=("rows", "w", "ch"))
def _sc_gather2(ta, tb, ia, ib, rows, w, ch=CH):
    cpw = rows // (NWORK * ch)

    @functools.partial(
        pl.kernel,
        out_type=[_SDS((rows, w), _f32), _SDS((rows, w), _f32)],
        mesh=_mesh(),
        scratch_types=[
            pltpu.VMEM((ch,), jnp.int32),
            pltpu.VMEM((ch, w), _f32),
            pltpu.VMEM((ch,), jnp.int32),
            pltpu.VMEM((ch, w), _f32),
            pltpu.VMEM((ch,), jnp.int32),
            pltpu.VMEM((ch, w), _f32),
            pltpu.VMEM((ch,), jnp.int32),
            pltpu.VMEM((ch, w), _f32),
        ] + [pltpu.SemaphoreType.DMA] * 8,
    )
    def k(ta_h, tb_h, ia_h, ib_h, oa_h, ob_h, ai, av, bi, bv,
          ai2, av2, bi2, bv2, g1, g2, g3, g4, s1, s2, s3, s4):
        c = lax.axis_index("c")
        s = lax.axis_index("s")
        wid = s * 2 + c

        def body(j, carry):
            offa = (wid * cpw + 2 * j) * ch
            offb = offa + ch
            pltpu.sync_copy(ia_h.at[pl.ds(offa, ch)], ai)
            pltpu.sync_copy(ib_h.at[pl.ds(offa, ch)], bi)
            pltpu.sync_copy(ia_h.at[pl.ds(offb, ch)], ai2)
            pltpu.sync_copy(ib_h.at[pl.ds(offb, ch)], bi2)
            cp1 = pltpu.async_copy(ta_h.at[ai], av, g1)
            cp2 = pltpu.async_copy(tb_h.at[bi], bv, g2)
            cp3 = pltpu.async_copy(ta_h.at[ai2], av2, g3)
            cp4 = pltpu.async_copy(tb_h.at[bi2], bv2, g4)
            cp1.wait()
            st1 = pltpu.async_copy(av, oa_h.at[pl.ds(offa, ch)], s1)
            cp2.wait()
            st2 = pltpu.async_copy(bv, ob_h.at[pl.ds(offa, ch)], s2)
            cp3.wait()
            st3 = pltpu.async_copy(av2, oa_h.at[pl.ds(offb, ch)], s3)
            cp4.wait()
            st4 = pltpu.async_copy(bv2, ob_h.at[pl.ds(offb, ch)], s4)
            st1.wait()
            st2.wait()
            st3.wait()
            st4.wait()
            return carry

        lax.fori_loop(0, cpw // 2, body, 0)

    return k(ta, tb, ia, ib)


@functools.partial(jax.jit, static_argnames=("rows", "w"))
def _sc_gather1(ta, ia, rows, w):
    cpw = rows // (NWORK * CH)

    @functools.partial(
        pl.kernel,
        out_type=[_SDS((rows, w), _f32)],
        mesh=_mesh(),
        scratch_types=[
            pltpu.VMEM((CH,), jnp.int32),
            pltpu.VMEM((CH, w), _f32),
            pltpu.VMEM((CH,), jnp.int32),
            pltpu.VMEM((CH, w), _f32),
            pltpu.VMEM((CH,), jnp.int32),
            pltpu.VMEM((CH, w), _f32),
        ] + [pltpu.SemaphoreType.DMA] * 6,
    )
    def k(ta_h, ia_h, oa_h, ai, av, ai2, av2, ai3, av3, g1, g2, g3,
          s1, s2, s3):
        c = lax.axis_index("c")
        s = lax.axis_index("s")
        wid = s * 2 + c

        def body(j, carry):
            offa = (wid * cpw + 3 * j) * CH
            offb = offa + CH
            offc = offb + CH
            pltpu.sync_copy(ia_h.at[pl.ds(offa, CH)], ai)
            pltpu.sync_copy(ia_h.at[pl.ds(offb, CH)], ai2)
            pltpu.sync_copy(ia_h.at[pl.ds(offc, CH)], ai3)
            cp1 = pltpu.async_copy(ta_h.at[ai], av, g1)
            cp2 = pltpu.async_copy(ta_h.at[ai2], av2, g2)
            cp3 = pltpu.async_copy(ta_h.at[ai3], av3, g3)
            cp1.wait()
            st1 = pltpu.async_copy(av, oa_h.at[pl.ds(offa, CH)], s1)
            cp2.wait()
            st2 = pltpu.async_copy(av2, oa_h.at[pl.ds(offb, CH)], s2)
            cp3.wait()
            st3 = pltpu.async_copy(av3, oa_h.at[pl.ds(offc, CH)], s3)
            st1.wait()
            st2.wait()
            st3.wait()
            return carry

        lax.fori_loop(0, cpw // 3, body, 0)

    return k(ta, ia)[0]


def _stack_xr2(xr, mee):
    nb = NPAD // BM

    def body(xr_ref, mee_ref, o_ref):
        i = pl.program_id(0)

        @pl.when(i < nb)
        def _():
            o_ref[...] = xr_ref[...]

        @pl.when(i >= nb)
        def _():
            o_ref[...] = xr_ref[...] + mee_ref[...]

    rowblk = lambda i: (lax.rem(i, nb), 0)
    return pl.pallas_call(
        body,
        grid=(2 * nb,),
        in_specs=[
            pl.BlockSpec((BM, D), rowblk),
            pl.BlockSpec((BM, D), rowblk),
        ],
        out_specs=pl.BlockSpec((BM, D), lambda i: (i, 0)),
        out_shape=_SDS((2 * NPAD, D), _f32),
    )(xr, mee)


def kernel(x, edge_index, edge_attr, enc_W, enc_b, eenc_W, eenc_b, Wl, bl,
           Wr, br, We, att, gbias, Wres, bres, hW1, hb1, hW2, hb2, hW3, hb3):
    src = edge_index[0].astype(jnp.int32)
    dst = edge_index[1].astype(jnp.int32)

    eye8 = jnp.eye(8, dtype=_f32)
    eo = jnp.repeat(eye8, C, axis=1)
    eot = eo.T
    eo2 = jnp.concatenate([eye8, jnp.zeros((8, 120), _f32)], axis=1)
    eo16 = jnp.concatenate([eo, jnp.zeros((120, D), _f32)], axis=0)
    tri = jnp.tril(jnp.ones((CB, CB), _f32))

    loop = jnp.arange(N, dtype=jnp.int32)
    d_ext = jnp.full((EPAD,), N, jnp.int32).at[:EF].set(
        jnp.concatenate([dst, loop]))
    s_ext = jnp.zeros((EPAD,), jnp.int32).at[:EF].set(
        jnp.concatenate([src, loop]))
    perm = jnp.argsort(d_ext, stable=True).astype(jnp.int32)
    d_sorted = d_ext[perm]
    s_g = s_ext[perm]
    idx_pre = jnp.minimum(perm, E)
    isloop = (perm >= E) & (perm < EF)
    d2 = d_sorted + isloop.astype(jnp.int32) * NPAD
    ptr = jnp.searchsorted(d_sorted, jnp.arange(NPAD + 1, dtype=jnp.int32)
                           ).astype(jnp.int32)
    idx_hi = jnp.full((BPAD,), CB - 1, jnp.int32).at[:NPAD].set(
        ptr[1:] + (CB - 1))
    idx_lo = jnp.full((BPAD,), CB - 1, jnp.int32).at[:NPAD].set(
        ptr[:-1] + (CB - 1))
    mask16 = jnp.broadcast_to((perm < E).astype(_f32)[:, None], (EPAD, 128))

    xp = jnp.zeros((NPAD, D), _f32).at[:N, :34].set(x)
    encWp = jnp.zeros((D, D), _f32).at[:34].set(enc_W)
    h = _mm_act(xp, encWp, enc_b, True)

    EAP = 160768
    eap = jnp.zeros((EAP, 16), _f32).at[:E].set(edge_attr)
    ea = _mm_act(eap, eenc_W, eenc_b, True)[:E]

    tbl_pre = jnp.concatenate([ea, jnp.zeros((8, D), _f32)], axis=0)
    ea_s = _sc_gather1(tbl_pre, idx_pre, EPAD, D)
    p_pre = _cumsum_pre(ea_s, mask16, tri)
    hi, lo = _sc_gather2(p_pre, p_pre, idx_hi, idx_lo, BPAD, PW, 64)
    mean_ea = _combine_pre(hi[:NPAD], lo[:NPAD])

    wcat = jnp.concatenate([Wl, Wr, Wres], axis=2)
    bcat = jnp.concatenate([bl, br, bres], axis=1)

    for i in range(L):
        proj = _mm_act(h, wcat[i], bcat[i], False)
        xl = proj[:, 0:D]
        xr = proj[:, D:2 * D]
        hres = proj[:, 2 * D:3 * D]
        ee = _mm_act(ea_s, We[i], jnp.zeros((D,), _f32), False)
        mee = _mm_act(mean_ea, We[i], jnp.zeros((D,), _f32), False)
        xr2t = _stack_xr2(xr, mee)
        rows_l, rows_r = _sc_gather2(xl, xr2t, s_g, d2, EPAD, D)
        a8, m8 = _pass_a(rows_l, rows_r, ee, att[i].reshape(1, D), eot)
        ptab = _cumsum_layer(a8, m8, rows_l, eo, eo2, tri)
        hi, lo = _sc_gather2(ptab, ptab, idx_hi, idx_lo, BPAD, PW, 64)
        h = _combine_layer(hi[:NPAD], lo[:NPAD], hres,
                           gbias[i].reshape(1, D), eo16)

    gacc = _pool(h)
    w3p = jnp.zeros((D, 1024), _f32).at[:, :OUT_DIM].set(hW3)
    b3p = jnp.zeros((1, 1024), _f32).at[0, :OUT_DIM].set(hb3)
    out = _mlp(gacc, hW1, hb1.reshape(1, 2 * D), hW2, hb2.reshape(1, D),
               w3p, b3p)
    return out[0:1, :OUT_DIM]

# --- scband reference (transcript-rebuilt; emitter-appended) ---
"""Pipeline reference for scband-qcgn2o-ei-minimal-27298812133433 (READ-ONLY COPY).

The authoritative reference and input builder live on the scoring server;
editing this copy changes nothing except your own understanding.
"""

import jax, jax.numpy as jnp
import numpy as np

N = 10000
E = 160000
L = 4
H = 8
C = 16
D = 128
NODE_DIM = 34
EDGE_DIM = 16
OUT_DIM = 1000


def setup_inputs(seed: int = 0):
    key = jax.random.key(seed)
    ks = jax.random.split(key, 16)

    def w(k, shape, s=0.1):
        return jax.random.normal(k, shape, jnp.float32) * s

    inp = {}
    inp['x'] = jax.random.normal(ks[0], (N, NODE_DIM), jnp.float32)
    inp['edge_index'] = jax.random.randint(ks[1], (2, E), 0, N)
    inp['edge_attr'] = jax.random.normal(ks[2], (E, EDGE_DIM), jnp.float32)
    inp['enc_W'] = w(ks[3], (NODE_DIM, D)); inp['enc_b'] = jnp.zeros((D,), jnp.float32)
    inp['eenc_W'] = w(ks[4], (EDGE_DIM, D)); inp['eenc_b'] = jnp.zeros((D,), jnp.float32)
    inp['Wl'] = w(ks[5], (L, D, H * C)); inp['bl'] = jnp.zeros((L, H * C), jnp.float32)
    inp['Wr'] = w(ks[6], (L, D, H * C)); inp['br'] = jnp.zeros((L, H * C), jnp.float32)
    inp['We'] = w(ks[7], (L, D, H * C))
    inp['att'] = w(ks[8], (L, H, C))
    inp['gbias'] = jnp.zeros((L, H * C), jnp.float32)
    inp['Wres'] = w(ks[9], (L, D, D)); inp['bres'] = jnp.zeros((L, D), jnp.float32)
    inp['hW1'] = w(ks[10], (D, 2 * D)); inp['hb1'] = jnp.zeros((2 * D,), jnp.float32)
    inp['hW2'] = w(ks[11], (2 * D, D)); inp['hb2'] = jnp.zeros((D,), jnp.float32)
    inp['hW3'] = w(ks[12], (D, OUT_DIM)); inp['hb3'] = jnp.zeros((OUT_DIM,), jnp.float32)
    return inp


def _elu(v):
    return jnp.where(v > 0, v, jnp.expm1(v))


def _forward(x, edge_attr, enc_W, enc_b, eenc_W, eenc_b, Wl, bl, Wr, br, We, att, gbias, Wres, bres, hW1, hb1, hW2, hb2, hW3, hb3, edge_index):
    # node / edge encoders (eval mode: dropout is identity)
    h = _elu(x @ enc_W + enc_b)
    ea = _elu(edge_attr @ eenc_W + eenc_b)
    src, dst = edge_index[0], edge_index[1]
    # PyG GATv2Conv add_self_loops=True with fill_value='mean' for edge_attr
    deg = jnp.zeros((N,), jnp.float32).at[dst].add(1.0)
    mean_ea = jnp.zeros((N, D), jnp.float32).at[dst].add(ea) / jnp.maximum(deg, 1.0)[:, None]
    loop = jnp.arange(N, dtype=src.dtype)
    s = jnp.concatenate([src, loop])
    d = jnp.concatenate([dst, loop])
    ea_full = jnp.concatenate([ea, mean_ea], axis=0)
    for i in range(L):
        res = h
        xl = (h @ Wl[i] + bl[i]).reshape(N, H, C)
        xr = (h @ Wr[i] + br[i]).reshape(N, H, C)
        ee = (ea_full @ We[i]).reshape(-1, H, C)
        m = xl[s] + xr[d] + ee
        m = jnp.where(m > 0, m, 0.2 * m)  # leaky_relu(0.2)
        a = (m * att[i][None]).sum(-1)  # [E', H]
        amax = jax.ops.segment_max(a, d, num_segments=N)
        a = jnp.exp(a - amax[d])
        denom = jax.ops.segment_sum(a, d, num_segments=N)
        a = a / (denom[d] + 1e-16)
        out = jax.ops.segment_sum(a[:, :, None] * xl[s], d, num_segments=N).reshape(N, H * C) + gbias[i]
        h = _elu(out + res @ Wres[i] + bres[i])
    g = h.mean(axis=0, keepdims=True)  # batch=None -> global mean pool
    z = _elu(g @ hW1 + hb1)
    z = _elu(z @ hW2 + hb2)
    return jax.nn.softmax(z @ hW3 + hb3, axis=-1)


def reference(x, edge_index, edge_attr, enc_W, enc_b, eenc_W, eenc_b, Wl, bl, Wr, br, We, att, gbias, Wres, bres, hW1, hb1, hW2, hb2, hW3, hb3):
    return _forward(x, edge_attr, enc_W, enc_b, eenc_W, eenc_b, Wl, bl, Wr, br, We, att, gbias, Wres, bres, hW1, hb1, hW2, hb2, hW3, hb3, edge_index)

if __name__ == "__main__":
    import jax
    _d = setup_inputs()
    print(jax.jit(kernel)(*tuple(_d.values())))

</pallas_src>

<mosaic_0001>
#map = affine_map<(d0, d1) -> (0, 0)>
#map1 = affine_map<(d0, d1) -> (0)>
module attributes {stable_mosaic.version = 14 : i64} {
  func.func @k(%arg0: i32, %arg1: i32, %arg2: memref<160008x128xf32, #tpu.memory_space<hbm>>, %arg3: memref<172032xi32, #tpu.memory_space<hbm>>, %arg4: memref<172032x128xf32, #tpu.memory_space<hbm>>, %arg5: memref<128xi32, #tpu.memory_space<vmem>>, %arg6: memref<128x128xf32, #tpu.memory_space<vmem>>, %arg7: memref<128xi32, #tpu.memory_space<vmem>>, %arg8: memref<128x128xf32, #tpu.memory_space<vmem>>, %arg9: memref<128xi32, #tpu.memory_space<vmem>>, %arg10: memref<128x128xf32, #tpu.memory_space<vmem>>, %arg11: memref<!tpu.dma_semaphore, #tpu.memory_space<semaphore_mem>>, %arg12: memref<!tpu.dma_semaphore, #tpu.memory_space<semaphore_mem>>, %arg13: memref<!tpu.dma_semaphore, #tpu.memory_space<semaphore_mem>>, %arg14: memref<!tpu.dma_semaphore, #tpu.memory_space<semaphore_mem>>, %arg15: memref<!tpu.dma_semaphore, #tpu.memory_space<semaphore_mem>>, %arg16: memref<!tpu.dma_semaphore, #tpu.memory_space<semaphore_mem>>) attributes {dimension_semantics = [#tpu.dimension_semantics<core_parallel>, #tpu.dimension_semantics<subcore_parallel>], iteration_bounds = array<i64: 2, 16>, scalar_prefetch = 0 : i64, scratch_operands = 12 : i64, tpu.core_type = #tpu.core_type<sc_vector_subcore>, window_params = [{transform_indices = #map}, {transform_indices = #map1}, {transform_indices = #map}]} {
    %mul3A = arith.constant 2 : i32
    %mul3A_0 = arith.muli %arg1, %mul3A : i32
    %add3A = arith.addi %mul3A_0, %arg0 : i32
    %scan3A = arith.constant 0 : i32
    %scan3A_1 = arith.constant 0 : i32
    %scan3A_2 = arith.constant 14 : i32
    %scan3A_3 = arith.addi %scan3A_1, %scan3A_2 : i32
    %scan3A_4 = arith.constant 1 : i32
    scf.for %scan3A_6 = %scan3A_1 to %scan3A_3 step %scan3A_4  : i32 {
      %mul3A_7 = arith.constant 42 : i32
      %mul3A_8 = arith.muli %add3A, %mul3A_7 : i32
      %mul3A_9 = arith.constant 3 : i32
      %mul3A_10 = arith.muli %mul3A_9, %scan3A_6 : i32
      %add3A_11 = arith.addi %mul3A_8, %mul3A_10 : i32
      %mul3A_12 = arith.constant 128 : i32
      %mul3A_13 = arith.muli %add3A_11, %mul3A_12 : i32
      %add3A_14 = arith.constant 128 : i32
      %add3A_15 = arith.addi %mul3A_13, %add3A_14 : i32
      %add3A_16 = arith.constant 128 : i32
      %add3A_17 = arith.addi %add3A_15, %add3A_16 : i32
      "tpu.region"() ({
        %run_scoped3A = tpu.sem_alloc : memref<!tpu.dma_semaphore, #tpu.memory_space<semaphore_mem>>
        %dma_start3A_58 = tpu.memref_slice %arg3[%mul3A_13] : memref<172032xi32, #tpu.memory_space<hbm>> -> memref<128xi32, #tpu.memory_space<hbm>>
        %dma_start3A_59 = tpu.memref_slice %arg3[%mul3A_13] : memref<172032xi32, #tpu.memory_space<hbm>> -> memref<128xi32, #tpu.memory_space<hbm>>
        tpu.enqueue_dma source(%dma_start3A_59 : memref<128xi32, #tpu.memory_space<hbm>>) target(%arg5 : memref<128xi32, #tpu.memory_space<vmem>>) target_semaphore(%run_scoped3A : memref<!tpu.dma_semaphore, #tpu.memory_space<semaphore_mem>>)
        %dma_wait3A_60 = tpu.memref_slice %arg3[%mul3A_13] : memref<172032xi32, #tpu.memory_space<hbm>> -> memref<128xi32, #tpu.memory_space<hbm>>
        %dma_wait3A_61 = tpu.memref_slice %arg3[%mul3A_13] : memref<172032xi32, #tpu.memory_space<hbm>> -> memref<128xi32, #tpu.memory_space<hbm>>
        tpu.wait_dma2 semaphore(%run_scoped3A : memref<!tpu.dma_semaphore, #tpu.memory_space<semaphore_mem>>) src(%dma_wait3A_61 : memref<128xi32, #tpu.memory_space<hbm>>) dst(%arg5 : memref<128xi32, #tpu.memory_space<vmem>>)
        tpu.yield
      }) : () -> ()
      "tpu.region"() ({
        %run_scoped3A = tpu.sem_alloc : memref<!tpu.dma_semaphore, #tpu.memory_space<semaphore_mem>>
        %dma_start3A_58 = tpu.memref_slice %arg3[%add3A_15] : memref<172032xi32, #tpu.memory_space<hbm>> -> memref<128xi32, #tpu.memory_space<hbm>>
        %dma_start3A_59 = tpu.memref_slice %arg3[%add3A_15] : memref<172032xi32, #tpu.memory_space<hbm>> -> memref<128xi32, #tpu.memory_space<hbm>>
        tpu.enqueue_dma source(%dma_start3A_59 : memref<128xi32, #tpu.memory_space<hbm>>) target(%arg7 : memref<128xi32, #tpu.memory_space<vmem>>) target_semaphore(%run_scoped3A : memref<!tpu.dma_semaphore, #tpu.memory_space<semaphore_mem>>)
        %dma_wait3A_60 = tpu.memref_slice %arg3[%add3A_15] : memref<172032xi32, #tpu.memory_space<hbm>> -> memref<128xi32, #tpu.memory_space<hbm>>
        %dma_wait3A_61 = tpu.memref_slice %arg3[%add3A_15] : memref<172032xi32, #tpu.memory_space<hbm>> -> memref<128xi32, #tpu.memory_space<hbm>>
        tpu.wait_dma2 semaphore(%run_scoped3A : memref<!tpu.dma_semaphore, #tpu.memory_space<semaphore_mem>>) src(%dma_wait3A_61 : memref<128xi32, #tpu.memory_space<hbm>>) dst(%arg7 : memref<128xi32, #tpu.memory_space<vmem>>)
        tpu.yield
      }) : () -> ()
      "tpu.region"() ({
        %run_scoped3A = tpu.sem_alloc : memref<!tpu.dma_semaphore, #tpu.memory_space<semaphore_mem>>
        %dma_start3A_58 = tpu.memref_slice %arg3[%add3A_17] : memref<172032xi32, #tpu.memory_space<hbm>> -> memref<128xi32, #tpu.memory_space<hbm>>
        %dma_start3A_59 = tpu.memref_slice %arg3[%add3A_17] : memref<172032xi32, #tpu.memory_space<hbm>> -> memref<128xi32, #tpu.memory_space<hbm>>
        tpu.enqueue_dma source(%dma_start3A_59 : memref<128xi32, #tpu.memory_space<hbm>>) target(%arg9 : memref<128xi32, #tpu.memory_space<vmem>>) target_semaphore(%run_scoped3A : memref<!tpu.dma_semaphore, #tpu.memory_space<semaphore_mem>>)
        %dma_wait3A_60 = tpu.memref_slice %arg3[%add3A_17] : memref<172032xi32, #tpu.memory_space<hbm>> -> memref<128xi32, #tpu.memory_space<hbm>>
        %dma_wait3A_61 = tpu.memref_slice %arg3[%add3A_17] : memref<172032xi32, #tpu.memory_space<hbm>> -> memref<128xi32, #tpu.memory_space<hbm>>
        tpu.wait_dma2 semaphore(%run_scoped3A : memref<!tpu.dma_semaphore, #tpu.memory_space<semaphore_mem>>) src(%dma_wait3A_61 : memref<128xi32, #tpu.memory_space<hbm>>) dst(%arg9 : memref<128xi32, #tpu.memory_space<vmem>>)
        tpu.yield
      }) : () -> ()
      %dma_start3A = arith.constant 0 : i32
      %dma_start3A_18 = arith.constant 0 : i32
      %dma_start3A_19 = tpu.memref_slice %arg2[%dma_start3A, %dma_start3A_18] : memref<160008x128xf32, #tpu.memory_space<hbm>> -> memref<160008x128xf32, #tpu.memory_space<hbm>>
      tpu.enqueue_indirect_dma source(%dma_start3A_19 : memref<160008x128xf32, #tpu.memory_space<hbm>>) target(%arg6 : memref<128x128xf32, #tpu.memory_space<vmem>>) offsets(%arg5 : memref<128xi32, #tpu.memory_space<vmem>>) semaphore(%arg11 : memref<!tpu.dma_semaphore, #tpu.memory_space<semaphore_mem>>)
      %dma_start3A_20 = arith.constant 0 : i32
      %dma_start3A_21 = arith.constant 0 : i32
      %dma_start3A_22 = tpu.memref_slice %arg2[%dma_start3A_20, %dma_start3A_21] : memref<160008x128xf32, #tpu.memory_space<hbm>> -> memref<160008x128xf32, #tpu.memory_space<hbm>>
      tpu.enqueue_indirect_dma source(%dma_start3A_22 : memref<160008x128xf32, #tpu.memory_space<hbm>>) target(%arg8 : memref<128x128xf32, #tpu.memory_space<vmem>>) offsets(%arg7 : memref<128xi32, #tpu.memory_space<vmem>>) semaphore(%arg12 : memref<!tpu.dma_semaphore, #tpu.memory_space<semaphore_mem>>)
      %dma_start3A_23 = arith.constant 0 : i32
      %dma_start3A_24 = arith.constant 0 : i32
      %dma_start3A_25 = tpu.memref_slice %arg2[%dma_start3A_23, %dma_start3A_24] : memref<160008x128xf32, #tpu.memory_space<hbm>> -> memref<160008x128xf32, #tpu.memory_space<hbm>>
      tpu.enqueue_indirect_dma source(%dma_start3A_25 : memref<160008x128xf32, #tpu.memory_space<hbm>>) target(%arg10 : memref<128x128xf32, #tpu.memory_space<vmem>>) offsets(%arg9 : memref<128xi32, #tpu.memory_space<vmem>>) semaphore(%arg13 : memref<!tpu.dma_semaphore, #tpu.memory_space<semaphore_mem>>)
      %dma_wait3A = arith.constant 0 : i32
      %dma_wait3A_26 = arith.constant 0 : i32
      %dma_wait3A_27 = tpu.memref_slice %arg2[%dma_wait3A, %dma_wait3A_26] : memref<160008x128xf32, #tpu.memory_space<hbm>> -> memref<160008x128xf32, #tpu.memory_space<hbm>>
      tpu.wait_indirect_dma semaphore(%arg11 : memref<!tpu.dma_semaphore, #tpu.memory_space<semaphore_mem>>) src(%dma_wait3A_27 : memref<160008x128xf32, #tpu.memory_space<hbm>>) dst(%arg6 : memref<128x128xf32, #tpu.memory_space<vmem>>)
      %dma_start3A_28 = arith.constant 0 : i32
      %dma_start3A_29 = tpu.memref_slice %arg4[%mul3A_13, %dma_start3A_28] : memref<172032x128xf32, #tpu.memory_space<hbm>> -> memref<128x128xf32, #tpu.memory_space<hbm>>
      %dma_start3A_30 = arith.constant 0 : i32
      %dma_start3A_31 = tpu.memref_slice %arg4[%mul3A_13, %dma_start3A_30] : memref<172032x128xf32, #tpu.memory_space<hbm>> -> memref<128x128xf32, #tpu.memory_space<hbm>>
      tpu.enqueue_dma source(%arg6 : memref<128x128xf32, #tpu.memory_space<vmem>>) target(%dma_start3A_31 : memref<128x128xf32, #tpu.memory_space<hbm>>) target_semaphore(%arg14 : memref<!tpu.dma_semaphore, #tpu.memory_space<semaphore_mem>>)
      %dma_wait3A_32 = arith.constant 0 : i32
      %dma_wait3A_33 = arith.constant 0 : i32
      %dma_wait3A_34 = tpu.memref_slice %arg2[%dma_wait3A_32, %dma_wait3A_33] : memref<160008x128xf32, #tpu.memory_space<hbm>> -> memref<160008x128xf32, #tpu.memory_space<hbm>>
      tpu.wait_indirect_dma semaphore(%arg12 : memref<!tpu.dma_semaphore, #tpu.memory_space<semaphore_mem>>) src(%dma_wait3A_34 : memref<160008x128xf32, #tpu.memory_space<hbm>>) dst(%arg8 : memref<128x128xf32, #tpu.memory_space<vmem>>)
      %dma_start3A_35 = arith.constant 0 : i32
      %dma_start3A_36 = tpu.memref_slice %arg4[%add3A_15, %dma_start3A_35] : memref<172032x128xf32, #tpu.memory_space<hbm>> -> memref<128x128xf32, #tpu.memory_space<hbm>>
      %dma_start3A_37 = arith.constant 0 : i32
      %dma_start3A_38 = tpu.memref_slice %arg4[%add3A_15, %dma_start3A_37] : memref<172032x128xf32, #tpu.memory_space<hbm>> -> memref<128x128xf32, #tpu.memory_space<hbm>>
      tpu.enqueue_dma source(%arg8 : memref<128x128xf32, #tpu.memory_space<vmem>>) target(%dma_start3A_38 : memref<128x128xf32, #tpu.memory_space<hbm>>) target_semaphore(%arg15 : memref<!tpu.dma_semaphore, #tpu.memory_space<semaphore_mem>>)
      %dma_wait3A_39 = arith.constant 0 : i32
      %dma_wait3A_40 = arith.constant 0 : i32
      %dma_wait3A_41 = tpu.memref_slice %arg2[%dma_wait3A_39, %dma_wait3A_40] : memref<160008x128xf32, #tpu.memory_space<hbm>> -> memref<160008x128xf32, #tpu.memory_space<hbm>>
      tpu.wait_indirect_dma semaphore(%arg13 : memref<!tpu.dma_semaphore, #tpu.memory_space<semaphore_mem>>) src(%dma_wait3A_41 : memref<160008x128xf32, #tpu.memory_space<hbm>>) dst(%arg10 : memref<128x128xf32, #tpu.memory_space<vmem>>)
      %dma_start3A_42 = arith.constant 0 : i32
      %dma_start3A_43 = tpu.memref_slice %arg4[%add3A_17, %dma_start3A_42] : memref<172032x128xf32, #tpu.memory_space<hbm>> -> memref<128x128xf32, #tpu.memory_space<hbm>>
      %dma_start3A_44 = arith.constant 0 : i32
      %dma_start3A_45 = tpu.memref_slice %arg4[%add3A_17, %dma_start3A_44] : memref<172032x128xf32, #tpu.memory_space<hbm>> -> memref<128x128xf32, #tpu.memory_space<hbm>>
      tpu.enqueue_dma source(%arg10 : memref<128x128xf32, #tpu.memory_space<vmem>>) target(%dma_start3A_45 : memref<128x128xf32, #tpu.memory_space<hbm>>) target_semaphore(%arg16 : memref<!tpu.dma_semaphore, #tpu.memory_space<semaphore_mem>>)
      %dma_wait3A_46 = arith.constant 0 : i32
      %dma_wait3A_47 = tpu.memref_slice %arg4[%mul3A_13, %dma_wait3A_46] : memref<172032x128xf32, #tpu.memory_space<hbm>> -> memref<128x128xf32, #tpu.memory_space<hbm>>
      %dma_wait3A_48 = arith.constant 0 : i32
      %dma_wait3A_49 = tpu.memref_slice %arg4[%mul3A_13, %dma_wait3A_48] : memref<172032x128xf32, #tpu.memory_space<hbm>> -> memref<128x128xf32, #tpu.memory_space<hbm>>
      tpu.wait_dma2 semaphore(%arg14 : memref<!tpu.dma_semaphore, #tpu.memory_space<semaphore_mem>>) src(%arg6 : memref<128x128xf32, #tpu.memory_space<vmem>>) dst(%dma_wait3A_49 : memref<128x128xf32, #tpu.memory_space<hbm>>)
      %dma_wait3A_50 = arith.constant 0 : i32
      %dma_wait3A_51 = tpu.memref_slice %arg4[%add3A_15, %dma_wait3A_50] : memref<172032x128xf32, #tpu.memory_space<hbm>> -> memref<128x128xf32, #tpu.memory_space<hbm>>
      %dma_wait3A_52 = arith.constant 0 : i32
      %dma_wait3A_53 = tpu.memref_slice %arg4[%add3A_15, %dma_wait3A_52] : memref<172032x128xf32, #tpu.memory_space<hbm>> -> memref<128x128xf32, #tpu.memory_space<hbm>>
      tpu.wait_dma2 semaphore(%arg15 : memref<!tpu.dma_semaphore, #tpu.memory_space<semaphore_mem>>) src(%arg8 : memref<128x128xf32, #tpu.memory_space<vmem>>) dst(%dma_wait3A_53 : memref<128x128xf32, #tpu.memory_space<hbm>>)
      %dma_wait3A_54 = arith.constant 0 : i32
      %dma_wait3A_55 = tpu.memref_slice %arg4[%add3A_17, %dma_wait3A_54] : memref<172032x128xf32, #tpu.memory_space<hbm>> -> memref<128x128xf32, #tpu.memory_space<hbm>>
      %dma_wait3A_56 = arith.constant 0 : i32
      %dma_wait3A_57 = tpu.memref_slice %arg4[%add3A_17, %dma_wait3A_56] : memref<172032x128xf32, #tpu.memory_space<hbm>> -> memref<128x128xf32, #tpu.memory_space<hbm>>
      tpu.wait_dma2 semaphore(%arg16 : memref<!tpu.dma_semaphore, #tpu.memory_space<semaphore_mem>>) src(%arg10 : memref<128x128xf32, #tpu.memory_space<vmem>>) dst(%dma_wait3A_57 : memref<128x128xf32, #tpu.memory_space<hbm>>)
    }
    %scan3A_5 = arith.constant 14 : i32
    return
  }
}

</mosaic_0001>

<sc_bundles>
// kernel: _sc_gather1.3.cloned.1.call-start
scs
__scs_entry_jumppad:
0x0: {  	(pc) =	sbr.rel $0x88, $3  }
0x1: {  	(tag) =	ssettag $0x0;
	lr =	simm.s32 $0x1  }
0x2: {  	[smem:$0x3F9F] =	sst lr;
	_ =	strace $0xD0000000  }
0x3: {  	_ = 	snop  }
0x4: {  	_ = 	snop  }
0x5: {  	_ = 	snop  }
0x6: {  	_ = 	snop  }
0x7: {  	_ = 	snop  }
__scs_overlays_trampoline_lowered:
0x8: {  	[smem:$0x3FAE] =	sst s0  }
0x9: {  	[smem:$0x3FAF] =	sst s1  }
0xa: {  	[smem:$0x3FB0] =	sst s2  }
0xb: {  	[smem:$0x3FB1] =	sst s3  }
0xc: {  	[smem:$0x3FB2] =	sst s4  }
0xd: {  	[smem:$0x3FB3] =	sst s5  }
0xe: {  	[smem:$0x3FB4] =	sst s6  }
0xf: {  	[smem:$0x3FB5] =	sst s7  }
0x10: {  	[smem:$0x3FB6] =	sst s8  }
0x11: {  	[smem:$0x3FB7] =	sst s9;
	s0 =	simm.s32 @!p0 $0x0  }
0x12: {  	s1 =	sld [smem:$0x3F9D];
	s0 =	simm.s32 @p0 $0x1  }
0x13: {  	[smem:$0x3FB8] =	sst s0;
	s0 =	simm.s32 @!p1 $0x0  }
0x14: {  	s2 =	sld [smem:$0x3F9C];
	s0 =	simm.s32 @p1 $0x1  }
0x15: {  	[smem:$0x3FB9] =	sst s0;
	s0 =	simm.s32 @!p2 $0x0  }
0x16: {  	s3 =	sld [smem:$0x3FDB];
	s0 =	simm.s32 @p2 $0x1  }
0x17: {  	s4 =	simm.s32 $0x1BF5;
	[smem:$0x3FBB] =	sst s0  }
0x18: {  	s0 =	sld [smem:$0x3F9E];
	_ =	swait.ge [sflag:s4], $0x0  }
0x19: {  	s7 =	sld [smem:$0x3F9F]  }
0x1a: {  	s8 =	sadd.s32 $0xFFFFE003, lr  }
0x1b: {  	s9 =	sadd.s32 $0xFFFFFEF7, lr;
	s5 =	simm.s32 $0xFFFFFFFF;
	p2 =	slt.u32 s8, $0xFFFFF086  }
0x1c: {  	p1 =	slt.u32 s9, $0xF7A;
	s5 =	simm.s32 @!p2 $0x0  }
0x1d: {  	s5 =	simm.s32 @p1 $0x1;
	p0 =	seq.s32 s7, s2  }
0x1e: {  	s7 =	smul.u32 @!p0 $0xF7A, s2;
	p2 =	seq.s32 @!p0 s5, $0x0  }
0x1f: {  	s9 =	smul.u32 $0xF7A, s1;
	s8 =	simm.s32 @!p0 $0x1BF5;
	p2 =	por !p2, p0  }
0x20: {  	[sflag:s8] =	ssyncset.s32 @!p0 $0xFFFFF086;
	s6 =	sadd.s32 @!p0 s3, s7;
	s7 =	simm.s32 @!p0 $0x108  }
0x21: {  	s3 =	sadd.s32 s3, s9;
	s6 =	sadd.s32 @!p0 $0x88, s6;
	s7 =	simm.s32 @p2 $0x1082  }
0x22: {  	[simem:s7], [sflag:s8] =	dma.local @!p0 [hbm:s6], $0xF7A  }
0x23: {  	s9 =	sor.u32 $0xD0000000, s2;
	s6 =	simm.s32 $0x108;
	_ =	swait.ge @!p0 [sflag:s8], $0x0  }
0x24: {  	s3 =	sadd.s32 $0x88, s3;
	s6 =	simm.s32 @!p1 $0x1082;
	[sflag:s4] =	ssyncset.s32 $0xFFFFF086  }
0x25: {  	[simem:s6], [sflag:s4] =	dma.local [hbm:s3], $0xF7A  }
0x26: {  	[smem:$0x3F9F] =	sst s1;
	(tag) =	ssettag s2;
	_ =	strace s9  }
0x27: {  	s1 =	sld [smem:$0x3FAF]  }
0x28: {  	s2 =	sld [smem:$0x3FB0]  }
0x29: {  	s4 =	sld [smem:$0x3FB2]  }
0x2a: {  	p0 =	seq.s32 s5, $0x0;
	s5 =	sld [smem:$0x3FB3]  }
0x2b: {  	s6 =	sld [smem:$0x3FB4]  }
0x2c: {  	s7 =	sld [smem:$0x3FB5]  }
0x2d: {  	s3 =	simm.s32 $0x108;
	s8 =	sld [smem:$0x3FB6]  }
0x2e: {  	s3 =	simm.s32 @!p0 $0x1082;
	s9 =	sld [smem:$0x3FB7]  }
0x2f: {  	lr =	sadd.s32 s0, s3;
	s0 =	sld [smem:$0x3FAE]  }
0x30: {  	s3 =	sld [smem:$0x3FB1]  }
0x31: {  	[smem:$0x3FBA] =	sst s10  }
0x32: {  	s10 =	sld [smem:$0x3FB8];
	_ =	sdelay $0x3  }
0x33: {  	p0 =	seq.s32 s10, $0x1;
	s10 =	sld [smem:$0x3FBA];
	_ =	sdelay $0x3  }
0x34: {  	[smem:$0x3FBA] =	sst s10  }
0x35: {  	s10 =	sld [smem:$0x3FB9];
	_ =	sdelay $0x3  }
0x36: {  	p1 =	seq.s32 s10, $0x1;
	s10 =	sld [smem:$0x3FBA];
	_ =	sdelay $0x3  }
0x37: {  	[smem:$0x3FBA] =	sst s10  }
0x38: {  	s10 =	sld [smem:$0x3FBB]  }
0x39: {  	_ = 	snop;
	(pc) =	sbr.ind lr, $3  }
0x3a: {  	_ = 	snop  }
0x3b: {  	_ = 	snop  }
0x3c: {  	p2 =	seq.s32 s10, $0x1;
	s10 =	sld [smem:$0x3FBA]  }
0x3d: {  	_ =	shalt  }
0x3e: {  	_ =	shalt  }
0x3f: {  	_ =	shalt  }
0x40: {  	_ =	shalt  }
0x41: {  	_ =	shalt  }
0x42: {  	_ =	shalt  }
0x43: {  	_ =	shalt  }
0x44: {  	_ =	shalt  }
0x45: {  	_ =	shalt  }
0x46: {  	_ =	shalt  }
0x47: {  	_ =	shalt  }
0x48: {  	_ =	shalt  }
0x49: {  	_ =	shalt  }
0x4a: {  	_ =	shalt  }
0x4b: {  	_ =	shalt  }
0x4c: {  	_ =	shalt  }
0x4d: {  	_ =	shalt  }
0x4e: {  	_ =	shalt  }
0x4f: {  	_ =	shalt  }
0x50: {  	_ =	shalt  }
0x51: {  	_ =	shalt  }
0x52: {  	_ =	shalt  }
0x53: {  	_ =	shalt  }
0x54: {  	_ =	shalt  }
0x55: {  	_ =	shalt  }
0x56: {  	_ =	shalt  }
0x57: {  	_ =	shalt  }
0x58: {  	_ =	shalt  }
0x59: {  	_ =	shalt  }
0x5a: {  	_ =	shalt  }
0x5b: {  	_ =	shalt  }
0x5c: {  	_ =	shalt  }
0x5d: {  	_ =	shalt  }
0x5e: {  	_ =	shalt  }
0x5f: {  	_ =	shalt  }
0x60: {  	_ =	shalt  }
0x61: {  	_ =	shalt  }
0x62: {  	_ =	shalt  }
0x63: {  	_ =	shalt  }
0x64: {  	_ =	shalt  }
0x65: {  	_ =	shalt  }
0x66: {  	_ =	shalt  }
0x67: {  	_ =	shalt  }
0x68: {  	_ =	shalt  }
0x69: {  	_ =	shalt  }
0x6a: {  	_ =	shalt  }
0x6b: {  	_ =	shalt  }
0x6c: {  	_ =	shalt  }
0x6d: {  	_ =	shalt  }
0x6e: {  	_ =	shalt  }
0x6f: {  	_ =	shalt  }
0x70: {  	_ =	shalt  }
0x71: {  	_ =	shalt  }
0x72: {  	_ =	shalt  }
0x73: {  	_ =	shalt  }
0x74: {  	_ =	shalt  }
0x75: {  	_ =	shalt  }
0x76: {  	_ =	shalt  }
0x77: {  	_ =	shalt  }
0x78: {  	_ =	shalt  }
0x79: {  	_ =	shalt  }
0x7a: {  	_ =	shalt  }
0x7b: {  	_ =	shalt  }
0x7c: {  	_ =	shalt  }
0x7d: {  	_ =	shalt  }
0x7e: {  	_ =	shalt  }
0x7f: {  	_ =	shalt  }
0x80: {  	_ =	shalt  }
0x81: {  	_ =	shalt  }
0x82: {  	_ =	shalt  }
0x83: {  	_ =	shalt  }
0x84: {  	_ =	shalt  }
0x85: {  	_ =	shalt  }
0x86: {  	_ =	shalt  }
0x87: {  	_ =	shalt  }
.Lfunc_end0:
.L_simem_size_0:
called_computation_lowered:
.L_overlay_start_0:
0x88: {  	s2 =	sld [smem:$0x3FD9]  }
0x89: {  	s3 =	sld [smem:$0x3FFE];
	_ =	sdelay $0x1  }
0x8a: {  	s1 =	srdreg.scid  }
0x8b: {  	s0 =	sand.u32 $0x1, s1  }
0x8c: {  	s18 =	sshll.u32 s0, $0xA;
	s2 =	sadd.s32 s3, s2  }
0x8d: {  	s2 =	sadd.s32 s2, s18  }
0x8e: {  	[smem:$0x3FC6] =	sst s2  }
0x8f: {  	_ = 	snop  }
0x90: {  	s2 =	sld [smem:$0x3FC9]  }
0x91: {  	s19 =	sld [smem:$0x3FC8]  }
0x92: {  	s4 =	sld [smem:$0x3FD0];
	(tm) =	ssettm $0x1  }
0x93: {  	s5 =	sld [smem:$0x3FFB];
	_ =	sdelay $0x3  }
0x94: {  	_ =	strace s5  }
0x95: {  	s5 =	sld [smem:$0x3FFC];
	_ =	sdelay $0x3  }
0x96: {  	_ =	strace s5  }
0x97: {  	s5 =	sld [smem:$0x3FFD];
	_ =	sdelay $0x3  }
0x98: {  	_ =	strace s5  }
0x99: {  	_ =	strace $0x8FFFFFFF  }
0x9a: {  	s20 =	sld [smem:$0x3FDB];
	_ =	sdelay $0x1  }
0x9b: {  	s6 =	simm.s32 $_scs_section_size  }
0x9c: {  	s7 =	simm.s32 $_size__tile_overlayer_lowered;
	s8 =	simm.s32 $_tile_overlayer_lowered  }
0x9d: {  	s23 =	simm.s32 $0x1BFF;
	s22 =	sshll.u32 s8, $0x1;
	s5 =	sadd.s32 s6, s20  }
0x9e: {  	s9 =	simm.s32 $0x0;
	s21 =	sshll.u32 s7, $0x1;
	s7 =	sadd.s32 s22, s5  }
0x9f: {  	[timem:s9], [sflag:s23] =	dma.local [hbm:s7], s21  }
0xa0: {  	_ =	swait.ge [sflag:s23], s21  }
0xa1: {  	s6 =	ssub.s32 $0x0, s21;
	[sflag:s23] =	ssyncset.done $0x0  }
0xa2: {  	[sflag:s23] =	ssyncadd.s32 s6;
	_ =	sdelay $0x1  }
0xa3: {  	s24 =	simm.s32 $0x1B8B  }
0xa4: {  	_ =	swait.ge [sflag:s24], $0x1  }
0xa5: {  	[sflag:s24] =	ssyncset.done $0x0  }
0xa6: {  	s25 =	simm.s32 $0x1B8E;
	[sflag:s24] =	ssyncadd.s32 $0xFFFFFFFF  }
0xa7: {  	s26 =	simm.s32 $execute0_lowered;
	[smem:$0x3FD2] =	sst s25  }
0xa8: {  	s6 =	sshll.u32 s26, $0x1;
	_ =	strace $0x80000046;
	[dreg:$0x1] =	wrdreg $0xFFFFFFFF  }
0xa9: {  	s28 =	simm.s32 $_size_execute0_lowered;
	s5 =	sadd.s32 s5, s6;
	[dreg:$0x0] =	wrdreg $0x0  }
0xaa: {  	s6 =	sshll.u32 s28, $0x1;
	[dreg:$0x2] =	wrdreg s5  }
0xab: {  	[dreg:$0x3] =	wrdreg s6  }
0xac: {  	[dreg:$0x4] =	wrdreg $0xC0  }
0xad: {  	_ =	task [dreg:s9], $0x5FFFF  }
0xae: {  	[dreg:$0x1] =	wrdreg $0xFFFFFFFF  }
0xaf: {  	[dreg:$0x0] =	wrdreg $0x60  }
0xb0: {  	[dreg:$0x2] =	wrdreg s2  }
0xb1: {  	[dreg:$0x3] =	wrdreg s19  }
0xb2: {  	[dreg:$0x4] =	wrdreg s4  }
0xb3: {  	[dreg:$0x5] =	wrdreg $0x9  }
0xb4: {  	_ =	task.clear_ibuf [dreg:s9], $0x6FFFF;
	_ =	strace $0x90000046  }
0xb5: {  	s29 =	simm.s32 $0x9;
	_ =	strace $0x80000048  }
0xb6: {  	_ =	swait.ge [sflag:s29], $0x1  }
0xb7: {  	[sflag:s29] =	ssyncadd.s32 $0xFFFFFFFF  }
0xb8: {  	_ =	strace $0x90000048  }
0xb9: {  	_ =	sfence  }
0xba: {  	s30 =	sld [smem:$0x0];
	_ =	sdelay $0x2  }
0xbb: {  	s31 =	sshll.u32 s1, $0xD;
	s1 =	sshrl.u32 s1, $0x2  }
0xbc: {  	s3 =	sand.u32 $0x4000, s31;
	s1 =	sadd.s32 s1, s30  }
0xbd: {  	s0 =	sor.u32 s3, s0;
	s1 =	sshll.u32 s1, $0x11  }
0xbe: {  	s0 =	sor.u32 s1, s0  }
0xbf: {  	s0 =	sadd.s32 $0x8F2B, s0  }
0xc0: {  	[sflag:s0] =	ssyncadd.remote.s32 $0x1  }
0xc1: {  	_ =	sfence.sel $0xFFFF  }
0xc2: {  	[dreg:$0x0] =	wrdreg $0xFFFFFFFF;
	(pc) =	sbr.abs _section_cstart, $3  }
0xc3: {  	[dreg:$0x1] =	wrdreg $0xFFFFFFFF  }
0xc4: {  	_ =	task.clear_ibuf [dreg:s9], $0x2FFFF;
	_ =	strace $0x9FFFFFFF  }
0xc5: {  	(tm) =	ssettm $0x7FFFFFFF  }
tec
execute0_lowered:
.L_overlay_start_1:
0x0: {  	(tag) =	ssettag $0x1  }
0x1: {  	s2 =	rddreg [dreg:$0x0]  }
0x2: {  	s8 =	rddreg [dreg:$0x1]  }
0x3: {  	s5 =	rddreg [dreg:$0x2]  }
0x4: {  	s3 =	srdreg.scid;
	s1 =	stileid.u32  }
0x5: {  	s0 =	rddreg [dreg:$0x3];
	s12 =	simm.s32 $0x80;
	s13 =	simm.s32 $0x4100  }
0x6: {  	s14 =	simm.s32 $0x8180;
	s15 =	simm.s32 $0x1;
	s7 =	smul.u32 $0x2A000, s1  }
0x7: {  	s16 =	simm.s32 $0x2;
	s17 =	simm.s32 $0x3;
	s11 =	smul.u32 $0x2A00, s1  }
0x8: {  	s18 =	simm.s32 $0x4;
	s6 =	sand.u32 $0x1, s3;
	s29 =	smul.u32 $0x540, s1  }
0x9: {  	s19 =	simm.s32 $0x5;
	s20 =	simm.s32 $0x6;
	s9 =	smul.u32 $0x15000, s6  }
0xa: {  	s21 =	simm.s32 $0x0;
	s3 =	simm.s32 $0x0;
	s28 =	smul.u32 $0x1500, s6  }
0xb: {  	s4 =	ssub.s32 $0x2, s6;
	[smem:$0x7FF] =	sst s3;
	s6 =	smul.u32 $0x2A0, s6  }
0xc: {  	s10 =	sshrl.u32 s4, $0x1;
	_ =	strace $0x80000047;
	s5 =	sadd.s32 s7, s5  }
0xd: {  	s7 =	sadd.s32 s29, s8;
	s4 =	ssub.s32 s4, s10;
	s5 =	sadd.s32 s9, s5  }
0xe: {  	s30 =	sadd.s32 s28, s11;
	s6 =	sadd.s32 s6, s7;
	s11 =	simm.s32 $0x8100  }
0xf: {  	s4 =	smax.u32 s4, $0x1;
	s10 =	sor.u32 $0x80, s30;
	s9 =	sadd.s32 $0x100, s30  }
0x10: {  	s31 =	sshrl.u32 s10, $0x3;
	s9 =	sshrl.u32 s9, $0x3;
	s10 =	simm.s32 $0x4080  }
0x11: {  	s7 =	sadd.s32 s31, s8;
	s8 =	sadd.s32 s9, s8;
	s9 =	simm.s32 $0x7  }
.LBB2_1:
0x12: {  	[tilespmem:s3], [sflag:$0x7] =	stream.linear.gather [hbm4b:s6+s3], $0x80, $0x38;
	[tilespmem:$0xC180] =	vst v63  }
0x13: {  	_ =	swait.ge [sflag:s9], $0x80  }
0x14: {  	[sflag:s9] =	ssyncset.done $0x0  }
0x15: {  	[sflag:s9] =	ssyncadd.s32 $0xFFFFFF80  }
0x16: {  	[tilespmem:s10], [sflag:$0x7] =	stream.linear.gather [hbm4b:s7+s3], $0x80, $0x38;
	[tilespmem:$0xC180] =	vst v63  }
0x17: {  	_ =	swait.ge [sflag:s9], $0x80  }
0x18: {  	[sflag:s9] =	ssyncset.done $0x0  }
0x19: {  	[sflag:s9] =	ssyncadd.s32 $0xFFFFFF80  }
0x1a: {  	[tilespmem:s11], [sflag:$0x7] =	stream.linear.gather [hbm4b:s8+s3], $0x80, $0x38;
	[tilespmem:$0xC180] =	vst v63  }
0x1b: {  	_ =	swait.ge [sflag:s9], $0x80  }
0x1c: {  	[sflag:s9] =	ssyncset.done $0x0  }
0x1d: {  	[sflag:s9] =	ssyncadd.s32 $0xFFFFFF80  }
0x1e: {  	[tilespmem:s12], [sflag:$0x1] =	stream.indirect.gather [hbm4b:s2+s12], $0x80, s3, s12, $0xb8;
	[tilespmem:$0xC180] =	vst v63  }
0x1f: {  	_ = 	snop  }
0x20: {  	[tilespmem:s13], [sflag:$0x2] =	stream.indirect.gather [hbm4b:s2+s12], $0x80, s10, s12, $0xb8;
	[tilespmem:$0xC180] =	vst v63  }
0x21: {  	_ = 	snop  }
0x22: {  	[tilespmem:s14], [sflag:$0x3] =	stream.indirect.gather [hbm4b:s2+s12], $0x80, s11, s12, $0xb8;
	[tilespmem:$0xC180] =	vst v63  }
0x23: {  	_ =	swait.ge [sflag:s15], $0x4000  }
0x24: {  	[sflag:s15] =	ssyncset.done $0x0  }
0x25: {  	s22 =	sadd.s32 $0x0, s5;
	[sflag:s15] =	ssyncadd.s32 $0xFFFFC000  }
0x26: {  	[hbm4b:s22+s3] =	stream.linear.scatter [tilespmem:s12], [sflag:$0x4], $0x4000, $0x38;
	[tilespmem:$0xC180] =	vst v63  }
0x27: {  	_ =	swait.ge [sflag:s16], $0x4000  }
0x28: {  	[sflag:s16] =	ssyncset.done $0x0  }
0x29: {  	s23 =	sadd.s32 $0x800, s22;
	[sflag:s16] =	ssyncadd.s32 $0xFFFFC000  }
0x2a: {  	[hbm4b:s23+s3] =	stream.linear.scatter [tilespmem:s13], [sflag:$0x5], $0x4000, $0x38;
	[tilespmem:$0xC180] =	vst v63  }
0x2b: {  	_ =	swait.ge [sflag:s17], $0x4000  }
0x2c: {  	[sflag:s17] =	ssyncset.done $0x0  }
0x2d: {  	s22 =	sadd.s32 $0x1000, s22;
	[sflag:s17] =	ssyncadd.s32 $0xFFFFC000  }
0x2e: {  	[hbm4b:s22+s3] =	stream.linear.scatter [tilespmem:s14], [sflag:$0x6], $0x4000, $0x38;
	[tilespmem:$0xC180] =	vst v63  }
0x2f: {  	_ =	swait.ge [sflag:s18], $0x4000  }
0x30: {  	[sflag:s18] =	ssyncset.done $0x0  }
0x31: {  	[sflag:s18] =	ssyncadd.s32 $0xFFFFC000  }
0x32: {  	_ =	swait.ge [sflag:s19], $0x4000  }
0x33: {  	[sflag:s19] =	ssyncset.done $0x0  }
0x34: {  	[sflag:s19] =	ssyncadd.s32 $0xFFFFC000  }
0x35: {  	s24 =	smov.u32 s6;
	s25 =	smov.u32 s7;
	_ =	swait.ge [sflag:s20], $0x4000  }
0x36: {  	s23 =	sadd.s32 $0x30, s8;
	s22 =	simm.s32 $0x1800;
	[sflag:s20] =	ssyncset.done $0x0  }
.LBB2_2:
0x37: {  	[sflag:s20] =	ssyncadd.s32 $0xFFFFC000  }
0x38: {  	s24 =	sadd.s32 $0x30, s24;
	s25 =	sadd.s32 $0x30, s25;
	s26 =	smov.u32 s22  }
0x39: {  	[tilespmem:s3], [sflag:$0x7] =	stream.linear.gather [hbm4b:s24+s3], $0x80, $0x38;
	[tilespmem:$0xC180] =	vst v63  }
0x3a: {  	p0 =	sne.s32 s22, $0x13800;
	s22 =	sadd.s32 $0x1800, s22;
	_ =	swait.ge [sflag:s9], $0x80  }
0x3b: {  	[sflag:s9] =	ssyncset.done $0x0  }
0x3c: {  	[sflag:s9] =	ssyncadd.s32 $0xFFFFFF80  }
0x3d: {  	[tilespmem:s10], [sflag:$0x7] =	stream.linear.gather [hbm4b:s25+s3], $0x80, $0x38;
	[tilespmem:$0xC180] =	vst v63  }
0x3e: {  	_ =	swait.ge [sflag:s9], $0x80  }
0x3f: {  	[sflag:s9] =	ssyncset.done $0x0  }
0x40: {  	[sflag:s9] =	ssyncadd.s32 $0xFFFFFF80  }
0x41: {  	[tilespmem:s11], [sflag:$0x7] =	stream.linear.gather [hbm4b:s23+s3], $0x80, $0x38;
	[tilespmem:$0xC180] =	vst v63  }
0x42: {  	_ =	swait.ge [sflag:s9], $0x80  }
0x43: {  	[sflag:s9] =	ssyncset.done $0x0  }
0x44: {  	[sflag:s9] =	ssyncadd.s32 $0xFFFFFF80  }
0x45: {  	[tilespmem:s12], [sflag:$0x1] =	stream.indirect.gather [hbm4b:s2+s12], $0x80, s3, s12, $0xb8;
	[tilespmem:$0xC180] =	vst v63  }
0x46: {  	_ = 	snop  }
0x47: {  	[tilespmem:s13], [sflag:$0x2] =	stream.indirect.gather [hbm4b:s2+s12], $0x80, s10, s12, $0xb8;
	[tilespmem:$0xC180] =	vst v63  }
0x48: {  	_ = 	snop  }
0x49: {  	[tilespmem:s14], [sflag:$0x3] =	stream.indirect.gather [hbm4b:s2+s12], $0x80, s11, s12, $0xb8;
	[tilespmem:$0xC180] =	vst v63  }
0x4a: {  	_ =	swait.ge [sflag:s15], $0x4000  }
0x4b: {  	[sflag:s15] =	ssyncset.done $0x0  }
0x4c: {  	s26 =	sadd.s32 s26, s5;
	[sflag:s15] =	ssyncadd.s32 $0xFFFFC000  }
0x4d: {  	[hbm4b:s26+s3] =	stream.linear.scatter [tilespmem:s12], [sflag:$0x4], $0x4000, $0x38;
	[tilespmem:$0xC180] =	vst v63  }
0x4e: {  	_ =	swait.ge [sflag:s16], $0x4000  }
0x4f: {  	[sflag:s16] =	ssyncset.done $0x0  }
0x50: {  	s28 =	sadd.s32 $0x800, s26;
	[sflag:s16] =	ssyncadd.s32 $0xFFFFC000  }
0x51: {  	[hbm4b:s28+s3] =	stream.linear.scatter [tilespmem:s13], [sflag:$0x5], $0x4000, $0x38;
	[tilespmem:$0xC180] =	vst v63  }
0x52: {  	_ =	swait.ge [sflag:s17], $0x4000  }
0x53: {  	[sflag:s17] =	ssyncset.done $0x0  }
0x54: {  	s26 =	sadd.s32 $0x1000, s26;
	[sflag:s17] =	ssyncadd.s32 $0xFFFFC000  }
0x55: {  	[hbm4b:s26+s3] =	stream.linear.scatter [tilespmem:s14], [sflag:$0x6], $0x4000, $0x38;
	[tilespmem:$0xC180] =	vst v63  }
0x56: {  	_ =	swait.ge [sflag:s18], $0x4000  }
0x57: {  	[sflag:s18] =	ssyncset.done $0x0  }
0x58: {  	[sflag:s18] =	ssyncadd.s32 $0xFFFFC000  }
.Ltmp0:
0x59: {  	_ =	swait.ge [sflag:s19], $0x4000;
	(pc) =	sbr.rel @p0 .LBB2_2-.Ltmp0, $4  }
0x5a: {  	[sflag:s19] =	ssyncset.done $0x0  }
0x5b: {  	[sflag:s19] =	ssyncadd.s32 $0xFFFFC000  }
0x5c: {  	_ =	swait.ge [sflag:s20], $0x4000  }
0x5d: {  	s23 =	sadd.s32 $0x30, s23;
	[sflag:s20] =	ssyncset.done $0x0  }
0x5e: {  	s21 =	sadd.s32 $0x1, s21  }
0x5f: {  	p0 =	sne.s32 s21, s4  }
.Ltmp1:
0x60: {  	_ = 	snop;
	(pc) =	sbr.rel @p0 .LBB2_1-.Ltmp1, $2  }
0x61: {  	_ =	sdelay $0x2  }
0x62: {  	[sflag:s20] =	ssyncadd.s32 $0xFFFFC000  }
0x63: {  	_ =	sfence.sel $0x180000  }
0x64: {  	[bflag:$0x0] =	sbarrier.arrive $0xFFFF  }
0x65: {  	p0 =	sne.s32 s1, $0x0;
	_ =	strace $0x90000047  }
0x66: {  	s0 =	sadd.s32 @!p0 $0x100000, s0;
	[bflag:$0x2] =	sbarrier.arrive $0xFFFF  }
0x67: {  	[sflag:s0] =	ssyncadd.tile.s32 @!p0 $0x1;
	_ =	shalt  }
.Lfunc_end2:
_tile_overlayer_lowered:
.L_overlay_start_2:
0x68: {  	(tag) =	ssettag $0x2  }
0x69: {  	s0 =	rddreg [dreg:$0x0];
	s2 =	stileid.u32  }
0x6a: {  	s1 =	rddreg [dreg:$0x1];
	p0 =	sne.s32 s2, $0x0  }
0x6b: {  	s3 =	rddreg [dreg:$0x2];
	[bflag:$0x3] =	sbarrier.arrive $0xFFFF;
	s2 =	simm.s32 @!p0 $0x1C07  }
0x6c: {  	[timem:s3], [sflag:s2] =	dma.local @!p0 [hbm:s0], s1  }
0x6d: {  	s0 =	simm.s32 @!p0 $0x7  }
0x6e: {  	_ =	swait.ge @!p0 [sflag:s0], s1  }
0x6f: {  	s1 =	ssub.s32 @!p0 $0x0, s1;
	[sflag:s0] =	ssyncset.done @!p0 $0x0  }
0x70: {  	[sflag:s0] =	ssyncadd.s32 @!p0 s1  }
0x71: {  	[bflag:$0x3] =	sbarrier.arrive $0xFFFF  }
0x72: {  	_ =	shalt  }

</sc_bundles>
